<compile_context>
chip_gen: v7x
topology: tpu7x:2x2x1
jax: 0.10.2.dev20260603
libtpu: 0.0.44.dev20260713+nightly
codegen_flags: <defaults>
</compile_context>

<pallas_src>
import functools

import jax
import jax.numpy as jnp
from jax import lax
from jax.experimental import pallas as pl
from jax.experimental.pallas import tpu as pltpu
from jax.experimental.pallas import tpu_sc as plsc


def _pos_embed_sc(batch, seq, d):
    info = plsc.get_sparse_core_info()
    nc, ns = info.num_cores, info.num_subcores
    nw = nc * ns
    rows = seq // nw
    mesh = plsc.VectorSubcoreMesh(core_axis_name="c", subcore_axis_name="s")

    @functools.partial(
        pl.kernel,
        out_type=jax.ShapeDtypeStruct((batch, seq, d), jnp.float32),
        mesh=mesh,
        scratch_types=[
            pltpu.VMEM((rows, d), jnp.float32),
            pltpu.SemaphoreType.DMA,
        ],
    )
    def k(w_hbm, out_hbm, rows_v, sem):
        wid = lax.axis_index("s") * nc + lax.axis_index("c")
        base = wid * rows
        pltpu.sync_copy(w_hbm.at[pl.ds(base, 1)], rows_v.at[pl.ds(0, 1)])
        cps = []
        for b in range(batch):
            cp = pltpu.make_async_copy(
                rows_v.at[pl.ds(0, 1)], out_hbm.at[b, pl.ds(base, 1)], sem)
            cp.start()
            cps.append(cp)
        for cp in cps:
            cp.wait()

    return k


def kernel(tokens, W_pos):
    batch, seq = tokens.shape
    d = W_pos.shape[-1]
    return _pos_embed_sc(batch, seq, d)(W_pos[:seq])

# --- scband reference (transcript-rebuilt; emitter-appended) ---
"""Pipeline reference for scband-pos-embed-111669149703 (READ-ONLY COPY).

The authoritative reference and input builder live on the scoring server;
editing this copy changes nothing except your own understanding.
"""

import jax, jax.numpy as jnp
import numpy as np

N_CTX = 1024
D_MODEL = 768
INIT_RANGE = 0.02

def setup_inputs(seed: int = 0) -> dict:
    key = jax.random.key(seed)
    k_tok, k_pos = jax.random.split(key)
    tokens = jax.random.randint(k_tok, (4, 1024), 0, 50257, dtype=jnp.int64) if jax.config.read('jax_enable_x64') else jax.random.randint(k_tok, (4, 1024), 0, 50257, dtype=jnp.int32)
    W_pos = jax.random.normal(k_pos, (N_CTX, D_MODEL), dtype=jnp.float32) * INIT_RANGE
    return {"tokens": tokens, "W_pos": W_pos}

def reference(tokens, W_pos):
    batch, seq = tokens.shape
    # einops.repeat(W_pos[:seq], 'seq d -> batch seq d', batch=batch)
    pos = W_pos[:seq]
    out = jnp.broadcast_to(pos[None, :, :], (batch, seq, pos.shape[-1]))
    return out

if __name__ == "__main__":
    import jax
    _d = setup_inputs()
    print(jax.jit(kernel)(*tuple(_d.values())))

</pallas_src>

<mosaic_0001>
#map = affine_map<(d0, d1) -> (0, 0)>
#map1 = affine_map<(d0, d1) -> (0, 0, 0)>
module attributes {stable_mosaic.version = 14 : i64} {
  func.func @k(%arg0: i32, %arg1: i32, %arg2: memref<1024x768xf32, #tpu.memory_space<hbm>>, %arg3: memref<4x1024x768xf32, #tpu.memory_space<hbm>>, %arg4: memref<32x768xf32, #tpu.memory_space<vmem>>, %arg5: memref<!tpu.dma_semaphore, #tpu.memory_space<semaphore_mem>>) attributes {dimension_semantics = [#tpu.dimension_semantics<core_parallel>, #tpu.dimension_semantics<subcore_parallel>], iteration_bounds = array<i64: 2, 16>, scalar_prefetch = 0 : i64, scratch_operands = 2 : i64, tpu.core_type = #tpu.core_type<sc_vector_subcore>, window_params = [{transform_indices = #map}, {transform_indices = #map1}]} {
    %mul3A = arith.constant 2 : i32
    %mul3A_0 = arith.muli %arg1, %mul3A : i32
    %add3A = arith.addi %mul3A_0, %arg0 : i32
    %mul3A_1 = arith.constant 32 : i32
    %mul3A_2 = arith.muli %add3A, %mul3A_1 : i32
    "tpu.region"() ({
      %run_scoped3A = tpu.sem_alloc : memref<!tpu.dma_semaphore, #tpu.memory_space<semaphore_mem>>
      %dma_start3A_105 = arith.constant 0 : i32
      %dma_start3A_106 = arith.constant 0 : i32
      %dma_start3A_107 = tpu.memref_slice %arg4[%dma_start3A_105, %dma_start3A_106] : memref<32x768xf32, #tpu.memory_space<vmem>> -> memref<1x768xf32, #tpu.memory_space<vmem>>
      %dma_start3A_108 = arith.constant 0 : i32
      %dma_start3A_109 = tpu.memref_slice %arg2[%mul3A_2, %dma_start3A_108] : memref<1024x768xf32, #tpu.memory_space<hbm>> -> memref<1x768xf32, #tpu.memory_space<hbm>>
      %dma_start3A_110 = arith.constant 0 : i32
      %dma_start3A_111 = arith.constant 0 : i32
      %dma_start3A_112 = tpu.memref_slice %arg4[%dma_start3A_110, %dma_start3A_111] : memref<32x768xf32, #tpu.memory_space<vmem>> -> memref<1x768xf32, #tpu.memory_space<vmem>>
      %dma_start3A_113 = arith.constant 0 : i32
      %dma_start3A_114 = tpu.memref_slice %arg2[%mul3A_2, %dma_start3A_113] : memref<1024x768xf32, #tpu.memory_space<hbm>> -> memref<1x768xf32, #tpu.memory_space<hbm>>
      tpu.enqueue_dma source(%dma_start3A_114 : memref<1x768xf32, #tpu.memory_space<hbm>>) target(%dma_start3A_112 : memref<1x768xf32, #tpu.memory_space<vmem>>) target_semaphore(%run_scoped3A : memref<!tpu.dma_semaphore, #tpu.memory_space<semaphore_mem>>)
      %dma_wait3A_115 = arith.constant 0 : i32
      %dma_wait3A_116 = arith.constant 0 : i32
      %dma_wait3A_117 = tpu.memref_slice %arg4[%dma_wait3A_115, %dma_wait3A_116] : memref<32x768xf32, #tpu.memory_space<vmem>> -> memref<1x768xf32, #tpu.memory_space<vmem>>
      %dma_wait3A_118 = arith.constant 0 : i32
      %dma_wait3A_119 = tpu.memref_slice %arg2[%mul3A_2, %dma_wait3A_118] : memref<1024x768xf32, #tpu.memory_space<hbm>> -> memref<1x768xf32, #tpu.memory_space<hbm>>
      %dma_wait3A_120 = arith.constant 0 : i32
      %dma_wait3A_121 = arith.constant 0 : i32
      %dma_wait3A_122 = tpu.memref_slice %arg4[%dma_wait3A_120, %dma_wait3A_121] : memref<32x768xf32, #tpu.memory_space<vmem>> -> memref<1x768xf32, #tpu.memory_space<vmem>>
      %dma_wait3A_123 = arith.constant 0 : i32
      %dma_wait3A_124 = tpu.memref_slice %arg2[%mul3A_2, %dma_wait3A_123] : memref<1024x768xf32, #tpu.memory_space<hbm>> -> memref<1x768xf32, #tpu.memory_space<hbm>>
      tpu.wait_dma2 semaphore(%run_scoped3A : memref<!tpu.dma_semaphore, #tpu.memory_space<semaphore_mem>>) src(%dma_wait3A_124 : memref<1x768xf32, #tpu.memory_space<hbm>>) dst(%dma_wait3A_122 : memref<1x768xf32, #tpu.memory_space<vmem>>)
      tpu.yield
    }) : () -> ()
    %dma_start3A = arith.constant 0 : i32
    %dma_start3A_3 = arith.constant 0 : i32
    %dma_start3A_4 = arith.constant 0 : i32
    %dma_start3A_5 = tpu.memref_slice %arg4[%dma_start3A_3, %dma_start3A_4] : memref<32x768xf32, #tpu.memory_space<vmem>> -> memref<1x768xf32, #tpu.memory_space<vmem>>
    %dma_start3A_6 = arith.constant 0 : i32
    %dma_start3A_7 = tpu.memref_slice %arg3[%dma_start3A, %mul3A_2, %dma_start3A_6] : memref<4x1024x768xf32, #tpu.memory_space<hbm>> -> memref<1x1x768xf32, #tpu.memory_space<hbm>>
    %dma_start3A_8 = tpu.memref_squeeze %dma_start3A_7 : memref<1x1x768xf32, #tpu.memory_space<hbm>> -> memref<1x768xf32, #tpu.memory_space<hbm>>
    %dma_start3A_9 = arith.constant 0 : i32
    %dma_start3A_10 = tpu.memref_slice %arg3[%dma_start3A, %mul3A_2, %dma_start3A_9] : memref<4x1024x768xf32, #tpu.memory_space<hbm>> -> memref<1x1x768xf32, #tpu.memory_space<hbm>>
    %dma_start3A_11 = tpu.memref_squeeze %dma_start3A_10 : memref<1x1x768xf32, #tpu.memory_space<hbm>> -> memref<1x768xf32, #tpu.memory_space<hbm>>
    %dma_start3A_12 = arith.constant 0 : i32
    %dma_start3A_13 = arith.constant 0 : i32
    %dma_start3A_14 = tpu.memref_slice %arg4[%dma_start3A_12, %dma_start3A_13] : memref<32x768xf32, #tpu.memory_space<vmem>> -> memref<1x768xf32, #tpu.memory_space<vmem>>
    tpu.enqueue_dma source(%dma_start3A_14 : memref<1x768xf32, #tpu.memory_space<vmem>>) target(%dma_start3A_11 : memref<1x768xf32, #tpu.memory_space<hbm>>) target_semaphore(%arg5 : memref<!tpu.dma_semaphore, #tpu.memory_space<semaphore_mem>>)
    %dma_start3A_15 = arith.constant 1 : i32
    %dma_start3A_16 = arith.constant 0 : i32
    %dma_start3A_17 = arith.constant 0 : i32
    %dma_start3A_18 = tpu.memref_slice %arg4[%dma_start3A_16, %dma_start3A_17] : memref<32x768xf32, #tpu.memory_space<vmem>> -> memref<1x768xf32, #tpu.memory_space<vmem>>
    %dma_start3A_19 = arith.constant 0 : i32
    %dma_start3A_20 = tpu.memref_slice %arg3[%dma_start3A_15, %mul3A_2, %dma_start3A_19] : memref<4x1024x768xf32, #tpu.memory_space<hbm>> -> memref<1x1x768xf32, #tpu.memory_space<hbm>>
    %dma_start3A_21 = tpu.memref_squeeze %dma_start3A_20 : memref<1x1x768xf32, #tpu.memory_space<hbm>> -> memref<1x768xf32, #tpu.memory_space<hbm>>
    %dma_start3A_22 = arith.constant 0 : i32
    %dma_start3A_23 = tpu.memref_slice %arg3[%dma_start3A_15, %mul3A_2, %dma_start3A_22] : memref<4x1024x768xf32, #tpu.memory_space<hbm>> -> memref<1x1x768xf32, #tpu.memory_space<hbm>>
    %dma_start3A_24 = tpu.memref_squeeze %dma_start3A_23 : memref<1x1x768xf32, #tpu.memory_space<hbm>> -> memref<1x768xf32, #tpu.memory_space<hbm>>
    %dma_start3A_25 = arith.constant 0 : i32
    %dma_start3A_26 = arith.constant 0 : i32
    %dma_start3A_27 = tpu.memref_slice %arg4[%dma_start3A_25, %dma_start3A_26] : memref<32x768xf32, #tpu.memory_space<vmem>> -> memref<1x768xf32, #tpu.memory_space<vmem>>
    tpu.enqueue_dma source(%dma_start3A_27 : memref<1x768xf32, #tpu.memory_space<vmem>>) target(%dma_start3A_24 : memref<1x768xf32, #tpu.memory_space<hbm>>) target_semaphore(%arg5 : memref<!tpu.dma_semaphore, #tpu.memory_space<semaphore_mem>>)
    %dma_start3A_28 = arith.constant 2 : i32
    %dma_start3A_29 = arith.constant 0 : i32
    %dma_start3A_30 = arith.constant 0 : i32
    %dma_start3A_31 = tpu.memref_slice %arg4[%dma_start3A_29, %dma_start3A_30] : memref<32x768xf32, #tpu.memory_space<vmem>> -> memref<1x768xf32, #tpu.memory_space<vmem>>
    %dma_start3A_32 = arith.constant 0 : i32
    %dma_start3A_33 = tpu.memref_slice %arg3[%dma_start3A_28, %mul3A_2, %dma_start3A_32] : memref<4x1024x768xf32, #tpu.memory_space<hbm>> -> memref<1x1x768xf32, #tpu.memory_space<hbm>>
    %dma_start3A_34 = tpu.memref_squeeze %dma_start3A_33 : memref<1x1x768xf32, #tpu.memory_space<hbm>> -> memref<1x768xf32, #tpu.memory_space<hbm>>
    %dma_start3A_35 = arith.constant 0 : i32
    %dma_start3A_36 = tpu.memref_slice %arg3[%dma_start3A_28, %mul3A_2, %dma_start3A_35] : memref<4x1024x768xf32, #tpu.memory_space<hbm>> -> memref<1x1x768xf32, #tpu.memory_space<hbm>>
    %dma_start3A_37 = tpu.memref_squeeze %dma_start3A_36 : memref<1x1x768xf32, #tpu.memory_space<hbm>> -> memref<1x768xf32, #tpu.memory_space<hbm>>
    %dma_start3A_38 = arith.constant 0 : i32
    %dma_start3A_39 = arith.constant 0 : i32
    %dma_start3A_40 = tpu.memref_slice %arg4[%dma_start3A_38, %dma_start3A_39] : memref<32x768xf32, #tpu.memory_space<vmem>> -> memref<1x768xf32, #tpu.memory_space<vmem>>
    tpu.enqueue_dma source(%dma_start3A_40 : memref<1x768xf32, #tpu.memory_space<vmem>>) target(%dma_start3A_37 : memref<1x768xf32, #tpu.memory_space<hbm>>) target_semaphore(%arg5 : memref<!tpu.dma_semaphore, #tpu.memory_space<semaphore_mem>>)
    %dma_start3A_41 = arith.constant 3 : i32
    %dma_start3A_42 = arith.constant 0 : i32
    %dma_start3A_43 = arith.constant 0 : i32
    %dma_start3A_44 = tpu.memref_slice %arg4[%dma_start3A_42, %dma_start3A_43] : memref<32x768xf32, #tpu.memory_space<vmem>> -> memref<1x768xf32, #tpu.memory_space<vmem>>
    %dma_start3A_45 = arith.constant 0 : i32
    %dma_start3A_46 = tpu.memref_slice %arg3[%dma_start3A_41, %mul3A_2, %dma_start3A_45] : memref<4x1024x768xf32, #tpu.memory_space<hbm>> -> memref<1x1x768xf32, #tpu.memory_space<hbm>>
    %dma_start3A_47 = tpu.memref_squeeze %dma_start3A_46 : memref<1x1x768xf32, #tpu.memory_space<hbm>> -> memref<1x768xf32, #tpu.memory_space<hbm>>
    %dma_start3A_48 = arith.constant 0 : i32
    %dma_start3A_49 = tpu.memref_slice %arg3[%dma_start3A_41, %mul3A_2, %dma_start3A_48] : memref<4x1024x768xf32, #tpu.memory_space<hbm>> -> memref<1x1x768xf32, #tpu.memory_space<hbm>>
    %dma_start3A_50 = tpu.memref_squeeze %dma_start3A_49 : memref<1x1x768xf32, #tpu.memory_space<hbm>> -> memref<1x768xf32, #tpu.memory_space<hbm>>
    %dma_start3A_51 = arith.constant 0 : i32
    %dma_start3A_52 = arith.constant 0 : i32
    %dma_start3A_53 = tpu.memref_slice %arg4[%dma_start3A_51, %dma_start3A_52] : memref<32x768xf32, #tpu.memory_space<vmem>> -> memref<1x768xf32, #tpu.memory_space<vmem>>
    tpu.enqueue_dma source(%dma_start3A_53 : memref<1x768xf32, #tpu.memory_space<vmem>>) target(%dma_start3A_50 : memref<1x768xf32, #tpu.memory_space<hbm>>) target_semaphore(%arg5 : memref<!tpu.dma_semaphore, #tpu.memory_space<semaphore_mem>>)
    %dma_wait3A = arith.constant 0 : i32
    %dma_wait3A_54 = arith.constant 0 : i32
    %dma_wait3A_55 = arith.constant 0 : i32
    %dma_wait3A_56 = tpu.memref_slice %arg4[%dma_wait3A_54, %dma_wait3A_55] : memref<32x768xf32, #tpu.memory_space<vmem>> -> memref<1x768xf32, #tpu.memory_space<vmem>>
    %dma_wait3A_57 = arith.constant 0 : i32
    %dma_wait3A_58 = tpu.memref_slice %arg3[%dma_wait3A, %mul3A_2, %dma_wait3A_57] : memref<4x1024x768xf32, #tpu.memory_space<hbm>> -> memref<1x1x768xf32, #tpu.memory_space<hbm>>
    %dma_wait3A_59 = tpu.memref_squeeze %dma_wait3A_58 : memref<1x1x768xf32, #tpu.memory_space<hbm>> -> memref<1x768xf32, #tpu.memory_space<hbm>>
    %dma_wait3A_60 = arith.constant 0 : i32
    %dma_wait3A_61 = tpu.memref_slice %arg3[%dma_wait3A, %mul3A_2, %dma_wait3A_60] : memref<4x1024x768xf32, #tpu.memory_space<hbm>> -> memref<1x1x768xf32, #tpu.memory_space<hbm>>
    %dma_wait3A_62 = tpu.memref_squeeze %dma_wait3A_61 : memref<1x1x768xf32, #tpu.memory_space<hbm>> -> memref<1x768xf32, #tpu.memory_space<hbm>>
    %dma_wait3A_63 = arith.constant 0 : i32
    %dma_wait3A_64 = arith.constant 0 : i32
    %dma_wait3A_65 = tpu.memref_slice %arg4[%dma_wait3A_63, %dma_wait3A_64] : memref<32x768xf32, #tpu.memory_space<vmem>> -> memref<1x768xf32, #tpu.memory_space<vmem>>
    tpu.wait_dma2 semaphore(%arg5 : memref<!tpu.dma_semaphore, #tpu.memory_space<semaphore_mem>>) src(%dma_wait3A_65 : memref<1x768xf32, #tpu.memory_space<vmem>>) dst(%dma_wait3A_62 : memref<1x768xf32, #tpu.memory_space<hbm>>)
    %dma_wait3A_66 = arith.constant 1 : i32
    %dma_wait3A_67 = arith.constant 0 : i32
    %dma_wait3A_68 = arith.constant 0 : i32
    %dma_wait3A_69 = tpu.memref_slice %arg4[%dma_wait3A_67, %dma_wait3A_68] : memref<32x768xf32, #tpu.memory_space<vmem>> -> memref<1x768xf32, #tpu.memory_space<vmem>>
    %dma_wait3A_70 = arith.constant 0 : i32
    %dma_wait3A_71 = tpu.memref_slice %arg3[%dma_wait3A_66, %mul3A_2, %dma_wait3A_70] : memref<4x1024x768xf32, #tpu.memory_space<hbm>> -> memref<1x1x768xf32, #tpu.memory_space<hbm>>
    %dma_wait3A_72 = tpu.memref_squeeze %dma_wait3A_71 : memref<1x1x768xf32, #tpu.memory_space<hbm>> -> memref<1x768xf32, #tpu.memory_space<hbm>>
    %dma_wait3A_73 = arith.constant 0 : i32
    %dma_wait3A_74 = tpu.memref_slice %arg3[%dma_wait3A_66, %mul3A_2, %dma_wait3A_73] : memref<4x1024x768xf32, #tpu.memory_space<hbm>> -> memref<1x1x768xf32, #tpu.memory_space<hbm>>
    %dma_wait3A_75 = tpu.memref_squeeze %dma_wait3A_74 : memref<1x1x768xf32, #tpu.memory_space<hbm>> -> memref<1x768xf32, #tpu.memory_space<hbm>>
    %dma_wait3A_76 = arith.constant 0 : i32
    %dma_wait3A_77 = arith.constant 0 : i32
    %dma_wait3A_78 = tpu.memref_slice %arg4[%dma_wait3A_76, %dma_wait3A_77] : memref<32x768xf32, #tpu.memory_space<vmem>> -> memref<1x768xf32, #tpu.memory_space<vmem>>
    tpu.wait_dma2 semaphore(%arg5 : memref<!tpu.dma_semaphore, #tpu.memory_space<semaphore_mem>>) src(%dma_wait3A_78 : memref<1x768xf32, #tpu.memory_space<vmem>>) dst(%dma_wait3A_75 : memref<1x768xf32, #tpu.memory_space<hbm>>)
    %dma_wait3A_79 = arith.constant 2 : i32
    %dma_wait3A_80 = arith.constant 0 : i32
    %dma_wait3A_81 = arith.constant 0 : i32
    %dma_wait3A_82 = tpu.memref_slice %arg4[%dma_wait3A_80, %dma_wait3A_81] : memref<32x768xf32, #tpu.memory_space<vmem>> -> memref<1x768xf32, #tpu.memory_space<vmem>>
    %dma_wait3A_83 = arith.constant 0 : i32
    %dma_wait3A_84 = tpu.memref_slice %arg3[%dma_wait3A_79, %mul3A_2, %dma_wait3A_83] : memref<4x1024x768xf32, #tpu.memory_space<hbm>> -> memref<1x1x768xf32, #tpu.memory_space<hbm>>
    %dma_wait3A_85 = tpu.memref_squeeze %dma_wait3A_84 : memref<1x1x768xf32, #tpu.memory_space<hbm>> -> memref<1x768xf32, #tpu.memory_space<hbm>>
    %dma_wait3A_86 = arith.constant 0 : i32
    %dma_wait3A_87 = tpu.memref_slice %arg3[%dma_wait3A_79, %mul3A_2, %dma_wait3A_86] : memref<4x1024x768xf32, #tpu.memory_space<hbm>> -> memref<1x1x768xf32, #tpu.memory_space<hbm>>
    %dma_wait3A_88 = tpu.memref_squeeze %dma_wait3A_87 : memref<1x1x768xf32, #tpu.memory_space<hbm>> -> memref<1x768xf32, #tpu.memory_space<hbm>>
    %dma_wait3A_89 = arith.constant 0 : i32
    %dma_wait3A_90 = arith.constant 0 : i32
    %dma_wait3A_91 = tpu.memref_slice %arg4[%dma_wait3A_89, %dma_wait3A_90] : memref<32x768xf32, #tpu.memory_space<vmem>> -> memref<1x768xf32, #tpu.memory_space<vmem>>
    tpu.wait_dma2 semaphore(%arg5 : memref<!tpu.dma_semaphore, #tpu.memory_space<semaphore_mem>>) src(%dma_wait3A_91 : memref<1x768xf32, #tpu.memory_space<vmem>>) dst(%dma_wait3A_88 : memref<1x768xf32, #tpu.memory_space<hbm>>)
    %dma_wait3A_92 = arith.constant 3 : i32
    %dma_wait3A_93 = arith.constant 0 : i32
    %dma_wait3A_94 = arith.constant 0 : i32
    %dma_wait3A_95 = tpu.memref_slice %arg4[%dma_wait3A_93, %dma_wait3A_94] : memref<32x768xf32, #tpu.memory_space<vmem>> -> memref<1x768xf32, #tpu.memory_space<vmem>>
    %dma_wait3A_96 = arith.constant 0 : i32
    %dma_wait3A_97 = tpu.memref_slice %arg3[%dma_wait3A_92, %mul3A_2, %dma_wait3A_96] : memref<4x1024x768xf32, #tpu.memory_space<hbm>> -> memref<1x1x768xf32, #tpu.memory_space<hbm>>
    %dma_wait3A_98 = tpu.memref_squeeze %dma_wait3A_97 : memref<1x1x768xf32, #tpu.memory_space<hbm>> -> memref<1x768xf32, #tpu.memory_space<hbm>>
    %dma_wait3A_99 = arith.constant 0 : i32
    %dma_wait3A_100 = tpu.memref_slice %arg3[%dma_wait3A_92, %mul3A_2, %dma_wait3A_99] : memref<4x1024x768xf32, #tpu.memory_space<hbm>> -> memref<1x1x768xf32, #tpu.memory_space<hbm>>
    %dma_wait3A_101 = tpu.memref_squeeze %dma_wait3A_100 : memref<1x1x768xf32, #tpu.memory_space<hbm>> -> memref<1x768xf32, #tpu.memory_space<hbm>>
    %dma_wait3A_102 = arith.constant 0 : i32
    %dma_wait3A_103 = arith.constant 0 : i32
    %dma_wait3A_104 = tpu.memref_slice %arg4[%dma_wait3A_102, %dma_wait3A_103] : memref<32x768xf32, #tpu.memory_space<vmem>> -> memref<1x768xf32, #tpu.memory_space<vmem>>
    tpu.wait_dma2 semaphore(%arg5 : memref<!tpu.dma_semaphore, #tpu.memory_space<semaphore_mem>>) src(%dma_wait3A_104 : memref<1x768xf32, #tpu.memory_space<vmem>>) dst(%dma_wait3A_101 : memref<1x768xf32, #tpu.memory_space<hbm>>)
    return
  }
}

</mosaic_0001>

<sc_bundles>
// kernel: kernel.3.cloned.1.call-start
scs
__scs_entry_jumppad:
0x0: {  	(pc) =	sbr.rel $0x88, $3  }
0x1: {  	(tag) =	ssettag $0x0;
	lr =	simm.s32 $0x1  }
0x2: {  	[smem:$0x3FA0] =	sst lr;
	_ =	strace $0xD0000000  }
0x3: {  	_ = 	snop  }
0x4: {  	_ = 	snop  }
0x5: {  	_ = 	snop  }
0x6: {  	_ = 	snop  }
0x7: {  	_ = 	snop  }
__scs_overlays_trampoline_lowered:
0x8: {  	[smem:$0x3FAF] =	sst s0  }
0x9: {  	[smem:$0x3FB0] =	sst s1  }
0xa: {  	[smem:$0x3FB1] =	sst s2  }
0xb: {  	[smem:$0x3FB2] =	sst s3  }
0xc: {  	[smem:$0x3FB3] =	sst s4  }
0xd: {  	[smem:$0x3FB4] =	sst s5  }
0xe: {  	[smem:$0x3FB5] =	sst s6  }
0xf: {  	[smem:$0x3FB6] =	sst s7  }
0x10: {  	[smem:$0x3FB7] =	sst s8  }
0x11: {  	[smem:$0x3FB8] =	sst s9;
	s0 =	simm.s32 @!p0 $0x0  }
0x12: {  	s1 =	sld [smem:$0x3F9E];
	s0 =	simm.s32 @p0 $0x1  }
0x13: {  	[smem:$0x3FB9] =	sst s0;
	s0 =	simm.s32 @!p1 $0x0  }
0x14: {  	s2 =	sld [smem:$0x3F9D];
	s0 =	simm.s32 @p1 $0x1  }
0x15: {  	[smem:$0x3FBA] =	sst s0;
	s0 =	simm.s32 @!p2 $0x0  }
0x16: {  	s3 =	sld [smem:$0x3FDB];
	s0 =	simm.s32 @p2 $0x1  }
0x17: {  	s4 =	simm.s32 $0x1BF5;
	[smem:$0x3FBC] =	sst s0  }
0x18: {  	s0 =	sld [smem:$0x3F9F];
	_ =	swait.ge [sflag:s4], $0x0  }
0x19: {  	s7 =	sld [smem:$0x3FA0]  }
0x1a: {  	s8 =	sadd.s32 $0xFFFFE003, lr  }
0x1b: {  	s9 =	sadd.s32 $0xFFFFFEF7, lr;
	s5 =	simm.s32 $0xFFFFFFFF;
	p2 =	slt.u32 s8, $0xFFFFF086  }
0x1c: {  	p1 =	slt.u32 s9, $0xF7A;
	s5 =	simm.s32 @!p2 $0x0  }
0x1d: {  	s5 =	simm.s32 @p1 $0x1;
	p0 =	seq.s32 s7, s2  }
0x1e: {  	s7 =	smul.u32 @!p0 $0xF7A, s2;
	p2 =	seq.s32 @!p0 s5, $0x0  }
0x1f: {  	s9 =	smul.u32 $0xF7A, s1;
	s8 =	simm.s32 @!p0 $0x1BF5;
	p2 =	por !p2, p0  }
0x20: {  	[sflag:s8] =	ssyncset.s32 @!p0 $0xFFFFF086;
	s6 =	sadd.s32 @!p0 s3, s7;
	s7 =	simm.s32 @!p0 $0x108  }
0x21: {  	s3 =	sadd.s32 s3, s9;
	s6 =	sadd.s32 @!p0 $0x88, s6;
	s7 =	simm.s32 @p2 $0x1082  }
0x22: {  	[simem:s7], [sflag:s8] =	dma.local @!p0 [hbm:s6], $0xF7A  }
0x23: {  	s9 =	sor.u32 $0xD0000000, s2;
	s6 =	simm.s32 $0x108;
	_ =	swait.ge @!p0 [sflag:s8], $0x0  }
0x24: {  	s3 =	sadd.s32 $0x88, s3;
	s6 =	simm.s32 @!p1 $0x1082;
	[sflag:s4] =	ssyncset.s32 $0xFFFFF086  }
0x25: {  	[simem:s6], [sflag:s4] =	dma.local [hbm:s3], $0xF7A  }
0x26: {  	[smem:$0x3FA0] =	sst s1;
	(tag) =	ssettag s2;
	_ =	strace s9  }
0x27: {  	s1 =	sld [smem:$0x3FB0]  }
0x28: {  	s2 =	sld [smem:$0x3FB1]  }
0x29: {  	s4 =	sld [smem:$0x3FB3]  }
0x2a: {  	p0 =	seq.s32 s5, $0x0;
	s5 =	sld [smem:$0x3FB4]  }
0x2b: {  	s6 =	sld [smem:$0x3FB5]  }
0x2c: {  	s7 =	sld [smem:$0x3FB6]  }
0x2d: {  	s3 =	simm.s32 $0x108;
	s8 =	sld [smem:$0x3FB7]  }
0x2e: {  	s3 =	simm.s32 @!p0 $0x1082;
	s9 =	sld [smem:$0x3FB8]  }
0x2f: {  	lr =	sadd.s32 s0, s3;
	s0 =	sld [smem:$0x3FAF]  }
0x30: {  	s3 =	sld [smem:$0x3FB2]  }
0x31: {  	[smem:$0x3FBB] =	sst s10  }
0x32: {  	s10 =	sld [smem:$0x3FB9];
	_ =	sdelay $0x3  }
0x33: {  	p0 =	seq.s32 s10, $0x1;
	s10 =	sld [smem:$0x3FBB];
	_ =	sdelay $0x3  }
0x34: {  	[smem:$0x3FBB] =	sst s10  }
0x35: {  	s10 =	sld [smem:$0x3FBA];
	_ =	sdelay $0x3  }
0x36: {  	p1 =	seq.s32 s10, $0x1;
	s10 =	sld [smem:$0x3FBB];
	_ =	sdelay $0x3  }
0x37: {  	[smem:$0x3FBB] =	sst s10  }
0x38: {  	s10 =	sld [smem:$0x3FBC]  }
0x39: {  	_ = 	snop;
	(pc) =	sbr.ind lr, $3  }
0x3a: {  	_ = 	snop  }
0x3b: {  	_ = 	snop  }
0x3c: {  	p2 =	seq.s32 s10, $0x1;
	s10 =	sld [smem:$0x3FBB]  }
0x3d: {  	_ =	shalt  }
0x3e: {  	_ =	shalt  }
0x3f: {  	_ =	shalt  }
0x40: {  	_ =	shalt  }
0x41: {  	_ =	shalt  }
0x42: {  	_ =	shalt  }
0x43: {  	_ =	shalt  }
0x44: {  	_ =	shalt  }
0x45: {  	_ =	shalt  }
0x46: {  	_ =	shalt  }
0x47: {  	_ =	shalt  }
0x48: {  	_ =	shalt  }
0x49: {  	_ =	shalt  }
0x4a: {  	_ =	shalt  }
0x4b: {  	_ =	shalt  }
0x4c: {  	_ =	shalt  }
0x4d: {  	_ =	shalt  }
0x4e: {  	_ =	shalt  }
0x4f: {  	_ =	shalt  }
0x50: {  	_ =	shalt  }
0x51: {  	_ =	shalt  }
0x52: {  	_ =	shalt  }
0x53: {  	_ =	shalt  }
0x54: {  	_ =	shalt  }
0x55: {  	_ =	shalt  }
0x56: {  	_ =	shalt  }
0x57: {  	_ =	shalt  }
0x58: {  	_ =	shalt  }
0x59: {  	_ =	shalt  }
0x5a: {  	_ =	shalt  }
0x5b: {  	_ =	shalt  }
0x5c: {  	_ =	shalt  }
0x5d: {  	_ =	shalt  }
0x5e: {  	_ =	shalt  }
0x5f: {  	_ =	shalt  }
0x60: {  	_ =	shalt  }
0x61: {  	_ =	shalt  }
0x62: {  	_ =	shalt  }
0x63: {  	_ =	shalt  }
0x64: {  	_ =	shalt  }
0x65: {  	_ =	shalt  }
0x66: {  	_ =	shalt  }
0x67: {  	_ =	shalt  }
0x68: {  	_ =	shalt  }
0x69: {  	_ =	shalt  }
0x6a: {  	_ =	shalt  }
0x6b: {  	_ =	shalt  }
0x6c: {  	_ =	shalt  }
0x6d: {  	_ =	shalt  }
0x6e: {  	_ =	shalt  }
0x6f: {  	_ =	shalt  }
0x70: {  	_ =	shalt  }
0x71: {  	_ =	shalt  }
0x72: {  	_ =	shalt  }
0x73: {  	_ =	shalt  }
0x74: {  	_ =	shalt  }
0x75: {  	_ =	shalt  }
0x76: {  	_ =	shalt  }
0x77: {  	_ =	shalt  }
0x78: {  	_ =	shalt  }
0x79: {  	_ =	shalt  }
0x7a: {  	_ =	shalt  }
0x7b: {  	_ =	shalt  }
0x7c: {  	_ =	shalt  }
0x7d: {  	_ =	shalt  }
0x7e: {  	_ =	shalt  }
0x7f: {  	_ =	shalt  }
0x80: {  	_ =	shalt  }
0x81: {  	_ =	shalt  }
0x82: {  	_ =	shalt  }
0x83: {  	_ =	shalt  }
0x84: {  	_ =	shalt  }
0x85: {  	_ =	shalt  }
0x86: {  	_ =	shalt  }
0x87: {  	_ =	shalt  }
.Lfunc_end0:
.L_simem_size_0:
called_computation_lowered:
.L_overlay_start_0:
0x88: {  	s2 =	sld [smem:$0x3FD9]  }
0x89: {  	s3 =	sld [smem:$0x3FFE];
	_ =	sdelay $0x1  }
0x8a: {  	s1 =	srdreg.scid  }
0x8b: {  	s0 =	sand.u32 $0x1, s1  }
0x8c: {  	s18 =	sshll.u32 s0, $0xA;
	s2 =	sadd.s32 s3, s2  }
0x8d: {  	s2 =	sadd.s32 s2, s18  }
0x8e: {  	[smem:$0x3FC7] =	sst s2  }
0x8f: {  	_ = 	snop  }
0x90: {  	s2 =	sld [smem:$0x3FC9]  }
0x91: {  	s19 =	sld [smem:$0x3FD0];
	(tm) =	ssettm $0x1  }
0x92: {  	s4 =	sld [smem:$0x3FFB];
	_ =	sdelay $0x3  }
0x93: {  	_ =	strace s4  }
0x94: {  	s4 =	sld [smem:$0x3FFC];
	_ =	sdelay $0x3  }
0x95: {  	_ =	strace s4  }
0x96: {  	s4 =	sld [smem:$0x3FFD];
	_ =	sdelay $0x3  }
0x97: {  	_ =	strace s4  }
0x98: {  	_ =	strace $0x8FFFFFFF  }
0x99: {  	s20 =	sld [smem:$0x3FDB];
	_ =	sdelay $0x1  }
0x9a: {  	s5 =	simm.s32 $_scs_section_size  }
0x9b: {  	s6 =	simm.s32 $_size__tile_overlayer_lowered;
	s7 =	simm.s32 $_tile_overlayer_lowered  }
0x9c: {  	s23 =	simm.s32 $0x1BFF;
	s22 =	sshll.u32 s7, $0x1;
	s4 =	sadd.s32 s5, s20  }
0x9d: {  	s8 =	simm.s32 $0x0;
	s21 =	sshll.u32 s6, $0x1;
	s6 =	sadd.s32 s22, s4  }
0x9e: {  	[timem:s8], [sflag:s23] =	dma.local [hbm:s6], s21  }
0x9f: {  	_ =	swait.ge [sflag:s23], s21  }
0xa0: {  	s5 =	ssub.s32 $0x0, s21;
	[sflag:s23] =	ssyncset.done $0x0  }
0xa1: {  	[sflag:s23] =	ssyncadd.s32 s5;
	_ =	sdelay $0x1  }
0xa2: {  	s24 =	simm.s32 $0x1B8B  }
0xa3: {  	_ =	swait.ge [sflag:s24], $0x1  }
0xa4: {  	[sflag:s24] =	ssyncset.done $0x0  }
0xa5: {  	s25 =	simm.s32 $0x1B8E;
	[sflag:s24] =	ssyncadd.s32 $0xFFFFFFFF  }
0xa6: {  	s26 =	simm.s32 $execute0_lowered;
	[smem:$0x3FD2] =	sst s25  }
0xa7: {  	s5 =	sshll.u32 s26, $0x1;
	_ =	strace $0x80000046;
	[dreg:$0x1] =	wrdreg $0xFFFFFFFF  }
0xa8: {  	s28 =	simm.s32 $_size_execute0_lowered;
	s4 =	sadd.s32 s4, s5;
	[dreg:$0x0] =	wrdreg $0x0  }
0xa9: {  	s5 =	sshll.u32 s28, $0x1;
	[dreg:$0x2] =	wrdreg s4  }
0xaa: {  	[dreg:$0x3] =	wrdreg s5  }
0xab: {  	[dreg:$0x4] =	wrdreg $0xC0  }
0xac: {  	_ =	task [dreg:s8], $0x5FFFF  }
0xad: {  	[dreg:$0x1] =	wrdreg $0xFFFFFFFF  }
0xae: {  	[dreg:$0x0] =	wrdreg $0x60  }
0xaf: {  	[dreg:$0x2] =	wrdreg s2  }
0xb0: {  	[dreg:$0x3] =	wrdreg s19  }
0xb1: {  	[dreg:$0x4] =	wrdreg $0x9  }
0xb2: {  	_ =	task.clear_ibuf [dreg:s8], $0x5FFFF;
	_ =	strace $0x90000046  }
0xb3: {  	s29 =	simm.s32 $0x9;
	_ =	strace $0x80000048  }
0xb4: {  	_ =	swait.ge [sflag:s29], $0x1  }
0xb5: {  	[sflag:s29] =	ssyncadd.s32 $0xFFFFFFFF  }
0xb6: {  	_ =	strace $0x90000048  }
0xb7: {  	_ =	sfence  }
0xb8: {  	s30 =	sld [smem:$0x0];
	_ =	sdelay $0x2  }
0xb9: {  	s31 =	sshll.u32 s1, $0xD;
	s1 =	sshrl.u32 s1, $0x2  }
0xba: {  	s3 =	sand.u32 $0x4000, s31;
	s1 =	sadd.s32 s1, s30  }
0xbb: {  	s0 =	sor.u32 s3, s0;
	s1 =	sshll.u32 s1, $0x11  }
0xbc: {  	s0 =	sor.u32 s1, s0  }
0xbd: {  	s0 =	sadd.s32 $0x8F2B, s0  }
0xbe: {  	[sflag:s0] =	ssyncadd.remote.s32 $0x1  }
0xbf: {  	_ =	sfence.sel $0xFFFF  }
0xc0: {  	[dreg:$0x0] =	wrdreg $0xFFFFFFFF;
	(pc) =	sbr.abs _section_cstart, $3  }
0xc1: {  	[dreg:$0x1] =	wrdreg $0xFFFFFFFF  }
0xc2: {  	_ =	task.clear_ibuf [dreg:s8], $0x2FFFF;
	_ =	strace $0x9FFFFFFF  }
0xc3: {  	(tm) =	ssettm $0x7FFFFFFF  }
tec
execute0_lowered:
.L_overlay_start_1:
0x0: {  	(tag) =	ssettag $0x1  }
0x1: {  	s0 =	srdreg.scid;
	s3 =	rddreg [dreg:$0x0]  }
0x2: {  	s6 =	stileid.u32;
	s4 =	rddreg [dreg:$0x1]  }
0x3: {  	s11 =	rddreg [dreg:$0x2];
	s10 =	simm.s32 $0x400;
	s9 =	simm.s32 $0x800  }
0x4: {  	s7 =	simm.s32 $0xC00;
	s21 =	simm.s32 $0x2;
	s0 =	sand.u32 $0x1, s0  }
0x5: {  	s1 =	sshll.u32 s6, $0x3;
	s2 =	sshll.u32 s0, $0x2;
	s0 =	ssub.s32 $0x2, s0  }
0x6: {  	s8 =	simm.s32 $0x1;
	s1 =	sor.u32 s2, s1;
	s23 =	sshrl.u32 s0, $0x1  }
0x7: {  	s2 =	simm.s32 $0x0;
	s1 =	smul.u32 $0x1800, s1;
	s0 =	ssub.s32 s0, s23  }
0x8: {  	p0 =	por $0x0, $0x0;
	[smem:$0x7FF] =	sst s2;
	s0 =	smax.u32 s0, $0x1  }
0x9: {  	_ =	strace $0x80000047;
	s1 =	sshrl.u32 s1, $0x3;
	p1 =	sne.s32 s0, $0x1  }
0xa: {  	s24 =	sadd.s32 s3, s1;
	s23 =	sadd.s32 s4, s1;
	s4 =	simm.s32 $0x1400  }
0xb: {  	s3 =	sadd.s32 $0xFFFFFFFF, s0;
	s5 =	sadd.s32 $0x80, s24;
	s25 =	sadd.s32 $0x100, s24  }
0xc: {  	s26 =	sadd.s32 $0x180, s24;
	s14 =	sadd.s32 $0x18000, s23;
	[dreg:$0x3] =	wrdreg s5  }
0xd: {  	s28 =	sadd.s32 $0x200, s24;
	s13 =	sadd.s32 $0x30000, s23;
	[dreg:$0x4] =	wrdreg s25  }
0xe: {  	s29 =	sadd.s32 $0x280, s24;
	s12 =	sadd.s32 $0x48000, s23;
	[dreg:$0x5] =	wrdreg s26  }
.Ltmp0:
0xf: {  	s30 =	sadd.s32 $0x80, s23;
	[dreg:$0x6] =	wrdreg s28;
	(pc) =	sbr.rel @!p1 .LBB2_5-.Ltmp0, $4  }
0x10: {  	s31 =	sadd.s32 $0x100, s23;
	s22 =	sadd.s32 $0x180, s23;
	[dreg:$0x7] =	wrdreg s29  }
0x11: {  	s15 =	sadd.s32 $0x200, s23;
	s16 =	sadd.s32 $0x280, s23;
	[dreg:$0x8] =	wrdreg s30  }
0x12: {  	s5 =	simm.s32 $0x1000;
	[dreg:$0x9] =	wrdreg s31;
	s17 =	sadd.s32 $0x80, s14  }
0x13: {  	s18 =	sadd.s32 $0x100, s14;
	s19 =	sadd.s32 $0x180, s14;
	s20 =	sadd.s32 $0x200, s14  }
0x14: {  	[tilespmem:s2], [sflag:$0x2] =	stream.linear.gather [hbm4b:s24+s2], $0x80, $0x38;
	[tilespmem:$0x6000] =	vst v63  }
0x15: {  	s0 =	rddreg [dreg:$0x3]  }
0x16: {  	[tilespmem:s10], [sflag:$0x2] =	stream.linear.gather [hbm4b:s0+s2], $0x80, $0x38;
	[tilespmem:$0x6000] =	vst v63  }
0x17: {  	s1 =	rddreg [dreg:$0x4]  }
0x18: {  	[tilespmem:s9], [sflag:$0x2] =	stream.linear.gather [hbm4b:s1+s2], $0x80, $0x38;
	[tilespmem:$0x6000] =	vst v63  }
0x19: {  	s26 =	rddreg [dreg:$0x5]  }
0x1a: {  	[tilespmem:s7], [sflag:$0x2] =	stream.linear.gather [hbm4b:s26+s2], $0x80, $0x38;
	[tilespmem:$0x6000] =	vst v63  }
0x1b: {  	s6 =	rddreg [dreg:$0x6]  }
0x1c: {  	[tilespmem:s5], [sflag:$0x2] =	stream.linear.gather [hbm4b:s6+s2], $0x80, $0x38;
	[tilespmem:$0x6000] =	vst v63  }
0x1d: {  	s11 =	rddreg [dreg:$0x7]  }
0x1e: {  	[tilespmem:s4], [sflag:$0x2] =	stream.linear.gather [hbm4b:s11+s2], $0x80, $0x38;
	[tilespmem:$0x6000] =	vst v63  }
0x1f: {  	_ =	swait.ge [sflag:s21], $0x300  }
0x20: {  	[sflag:s21] =	ssyncset.done $0x0  }
0x21: {  	[sflag:s21] =	ssyncadd.s32 $0xFFFFFD00  }
0x22: {  	[hbm4b:s23+s2] =	stream.linear.scatter [tilespmem:s2], [sflag:$0x1], $0x80, $0x38;
	[tilespmem:$0x6000] =	vst v63  }
0x23: {  	s25 =	rddreg [dreg:$0x8]  }
0x24: {  	[hbm4b:s25+s2] =	stream.linear.scatter [tilespmem:s10], [sflag:$0x1], $0x80, $0x38;
	[tilespmem:$0x6000] =	vst v63  }
0x25: {  	s26 =	rddreg [dreg:$0x9]  }
0x26: {  	[hbm4b:s26+s2] =	stream.linear.scatter [tilespmem:s9], [sflag:$0x1], $0x80, $0x38;
	[tilespmem:$0x6000] =	vst v63  }
0x27: {  	_ = 	snop  }
0x28: {  	[hbm4b:s22+s2] =	stream.linear.scatter [tilespmem:s7], [sflag:$0x1], $0x80, $0x38;
	[tilespmem:$0x6000] =	vst v63  }
0x29: {  	_ = 	snop  }
0x2a: {  	[hbm4b:s15+s2] =	stream.linear.scatter [tilespmem:s5], [sflag:$0x1], $0x80, $0x38;
	[tilespmem:$0x6000] =	vst v63  }
0x2b: {  	_ = 	snop  }
0x2c: {  	[hbm4b:s16+s2] =	stream.linear.scatter [tilespmem:s4], [sflag:$0x1], $0x80, $0x38;
	[tilespmem:$0x6000] =	vst v63  }
0x2d: {  	_ = 	snop  }
0x2e: {  	[hbm4b:s14+s2] =	stream.linear.scatter [tilespmem:s2], [sflag:$0x1], $0x80, $0x38;
	[tilespmem:$0x6000] =	vst v63  }
0x2f: {  	_ = 	snop  }
0x30: {  	[hbm4b:s17+s2] =	stream.linear.scatter [tilespmem:s10], [sflag:$0x1], $0x80, $0x38;
	[tilespmem:$0x6000] =	vst v63  }
0x31: {  	_ = 	snop  }
0x32: {  	[hbm4b:s18+s2] =	stream.linear.scatter [tilespmem:s9], [sflag:$0x1], $0x80, $0x38;
	[tilespmem:$0x6000] =	vst v63  }
0x33: {  	_ = 	snop  }
0x34: {  	[hbm4b:s19+s2] =	stream.linear.scatter [tilespmem:s7], [sflag:$0x1], $0x80, $0x38;
	[tilespmem:$0x6000] =	vst v63  }
0x35: {  	_ = 	snop  }
0x36: {  	[hbm4b:s20+s2] =	stream.linear.scatter [tilespmem:s5], [sflag:$0x1], $0x80, $0x38;
	[tilespmem:$0x6000] =	vst v63  }
0x37: {  	[dreg:$0xa] =	wrdreg s22;
	s22 =	sadd.s32 $0x280, s14  }
0x38: {  	[hbm4b:s22+s2] =	stream.linear.scatter [tilespmem:s4], [sflag:$0x1], $0x80, $0x38;
	[tilespmem:$0x6000] =	vst v63  }
0x39: {  	_ = 	snop  }
0x3a: {  	[hbm4b:s13+s2] =	stream.linear.scatter [tilespmem:s2], [sflag:$0x1], $0x80, $0x38;
	[tilespmem:$0x6000] =	vst v63  }
0x3b: {  	[dreg:$0xb] =	wrdreg s23;
	s23 =	sadd.s32 $0x80, s13  }
0x3c: {  	[hbm4b:s23+s2] =	stream.linear.scatter [tilespmem:s10], [sflag:$0x1], $0x80, $0x38;
	[tilespmem:$0x6000] =	vst v63  }
0x3d: {  	[dreg:$0xc] =	wrdreg s24;
	s24 =	sadd.s32 $0x100, s13  }
0x3e: {  	[hbm4b:s24+s2] =	stream.linear.scatter [tilespmem:s9], [sflag:$0x1], $0x80, $0x38;
	[tilespmem:$0x6000] =	vst v63  }
0x3f: {  	s25 =	sadd.s32 $0x180, s13  }
0x40: {  	[hbm4b:s25+s2] =	stream.linear.scatter [tilespmem:s7], [sflag:$0x1], $0x80, $0x38;
	[tilespmem:$0x6000] =	vst v63  }
0x41: {  	s26 =	sadd.s32 $0x200, s13  }
0x42: {  	[hbm4b:s26+s2] =	stream.linear.scatter [tilespmem:s5], [sflag:$0x1], $0x80, $0x38;
	[tilespmem:$0x6000] =	vst v63  }
0x43: {  	s28 =	sadd.s32 $0x280, s13  }
0x44: {  	[hbm4b:s28+s2] =	stream.linear.scatter [tilespmem:s4], [sflag:$0x1], $0x80, $0x38;
	[tilespmem:$0x6000] =	vst v63  }
0x45: {  	_ = 	snop  }
0x46: {  	[hbm4b:s12+s2] =	stream.linear.scatter [tilespmem:s2], [sflag:$0x1], $0x80, $0x38;
	[tilespmem:$0x6000] =	vst v63  }
0x47: {  	s29 =	sadd.s32 $0x80, s12  }
0x48: {  	[hbm4b:s29+s2] =	stream.linear.scatter [tilespmem:s10], [sflag:$0x1], $0x80, $0x38;
	[tilespmem:$0x6000] =	vst v63  }
0x49: {  	s30 =	sadd.s32 $0x100, s12  }
0x4a: {  	[hbm4b:s30+s2] =	stream.linear.scatter [tilespmem:s9], [sflag:$0x1], $0x80, $0x38;
	[tilespmem:$0x6000] =	vst v63  }
0x4b: {  	s31 =	sadd.s32 $0x180, s12  }
0x4c: {  	[hbm4b:s31+s2] =	stream.linear.scatter [tilespmem:s7], [sflag:$0x1], $0x80, $0x38;
	[tilespmem:$0x6000] =	vst v63  }
0x4d: {  	s1 =	sadd.s32 $0x200, s12  }
0x4e: {  	[hbm4b:s1+s2] =	stream.linear.scatter [tilespmem:s5], [sflag:$0x1], $0x80, $0x38;
	[tilespmem:$0x6000] =	vst v63  }
0x4f: {  	s0 =	sadd.s32 $0x280, s12  }
0x50: {  	[hbm4b:s0+s2] =	stream.linear.scatter [tilespmem:s4], [sflag:$0x1], $0x80, $0x38;
	[tilespmem:$0x6000] =	vst v63  }
0x51: {  	_ =	swait.ge [sflag:s8], $0x300  }
0x52: {  	[sflag:s8] =	ssyncset.done $0x0  }
0x53: {  	[sflag:s8] =	ssyncadd.s32 $0xFFFFFD00  }
0x54: {  	_ =	swait.ge [sflag:s8], $0x300  }
0x55: {  	[sflag:s8] =	ssyncset.done $0x0  }
0x56: {  	p1 =	sne.s32 s3, $0x1;
	[sflag:s8] =	ssyncadd.s32 $0xFFFFFD00  }
.Ltmp1:
0x57: {  	_ =	swait.ge [sflag:s8], $0x300;
	(pc) =	sbr.rel @!p1 .LBB2_2-.Ltmp1, $4  }
0x58: {  	[sflag:s8] =	ssyncset.done $0x0  }
0x59: {  	[sflag:s8] =	ssyncadd.s32 $0xFFFFFD00  }
0x5a: {  	_ =	swait.ge [sflag:s8], $0x300  }
0x5b: {  	s3 =	sadd.s32 $0xFFFFFFFF, s3;
	p0 =	por $0x1, $0x1;
	[sflag:s8] =	ssyncset.done $0x0  }
.LBB2_3:
0x5c: {  	[sflag:s8] =	ssyncadd.s32 $0xFFFFFD00;
	s11 =	rddreg [dreg:$0xc]  }
0x5d: {  	[tilespmem:s2], [sflag:$0x2] =	stream.linear.gather [hbm4b:s11+s2], $0x80, $0x38;
	[tilespmem:$0x6000] =	vst v63  }
0x5e: {  	s6 =	rddreg [dreg:$0x3]  }
0x5f: {  	[tilespmem:s10], [sflag:$0x2] =	stream.linear.gather [hbm4b:s6+s2], $0x80, $0x38;
	[tilespmem:$0x6000] =	vst v63  }
0x60: {  	s11 =	rddreg [dreg:$0x4]  }
0x61: {  	[tilespmem:s9], [sflag:$0x2] =	stream.linear.gather [hbm4b:s11+s2], $0x80, $0x38;
	[tilespmem:$0x6000] =	vst v63  }
0x62: {  	s6 =	rddreg [dreg:$0x5]  }
0x63: {  	[tilespmem:s7], [sflag:$0x2] =	stream.linear.gather [hbm4b:s6+s2], $0x80, $0x38;
	[tilespmem:$0x6000] =	vst v63  }
0x64: {  	s11 =	rddreg [dreg:$0x6]  }
0x65: {  	[tilespmem:s5], [sflag:$0x2] =	stream.linear.gather [hbm4b:s11+s2], $0x80, $0x38;
	[tilespmem:$0x6000] =	vst v63  }
0x66: {  	s6 =	rddreg [dreg:$0x7]  }
0x67: {  	[tilespmem:s4], [sflag:$0x2] =	stream.linear.gather [hbm4b:s6+s2], $0x80, $0x38;
	[tilespmem:$0x6000] =	vst v63  }
0x68: {  	_ =	swait.ge [sflag:s21], $0x300  }
0x69: {  	[sflag:s21] =	ssyncset.done $0x0  }
0x6a: {  	s11 =	rddreg [dreg:$0xb];
	[sflag:s21] =	ssyncadd.s32 $0xFFFFFD00  }
0x6b: {  	[hbm4b:s11+s2] =	stream.linear.scatter [tilespmem:s2], [sflag:$0x1], $0x80, $0x38;
	[tilespmem:$0x6000] =	vst v63  }
0x6c: {  	s6 =	rddreg [dreg:$0x8]  }
0x6d: {  	[hbm4b:s6+s2] =	stream.linear.scatter [tilespmem:s10], [sflag:$0x1], $0x80, $0x38;
	[tilespmem:$0x6000] =	vst v63  }
0x6e: {  	s11 =	rddreg [dreg:$0x9]  }
0x6f: {  	[hbm4b:s11+s2] =	stream.linear.scatter [tilespmem:s9], [sflag:$0x1], $0x80, $0x38;
	[tilespmem:$0x6000] =	vst v63  }
0x70: {  	s11 =	rddreg [dreg:$0xa]  }
0x71: {  	[hbm4b:s11+s2] =	stream.linear.scatter [tilespmem:s7], [sflag:$0x1], $0x80, $0x38;
	[tilespmem:$0x6000] =	vst v63  }
0x72: {  	_ = 	snop  }
0x73: {  	[hbm4b:s15+s2] =	stream.linear.scatter [tilespmem:s5], [sflag:$0x1], $0x80, $0x38;
	[tilespmem:$0x6000] =	vst v63  }
0x74: {  	_ = 	snop  }
0x75: {  	[hbm4b:s16+s2] =	stream.linear.scatter [tilespmem:s4], [sflag:$0x1], $0x80, $0x38;
	[tilespmem:$0x6000] =	vst v63  }
0x76: {  	_ = 	snop  }
0x77: {  	[hbm4b:s14+s2] =	stream.linear.scatter [tilespmem:s2], [sflag:$0x1], $0x80, $0x38;
	[tilespmem:$0x6000] =	vst v63  }
0x78: {  	_ = 	snop  }
0x79: {  	[hbm4b:s17+s2] =	stream.linear.scatter [tilespmem:s10], [sflag:$0x1], $0x80, $0x38;
	[tilespmem:$0x6000] =	vst v63  }
0x7a: {  	_ = 	snop  }
0x7b: {  	[hbm4b:s18+s2] =	stream.linear.scatter [tilespmem:s9], [sflag:$0x1], $0x80, $0x38;
	[tilespmem:$0x6000] =	vst v63  }
0x7c: {  	_ = 	snop  }
0x7d: {  	[hbm4b:s19+s2] =	stream.linear.scatter [tilespmem:s7], [sflag:$0x1], $0x80, $0x38;
	[tilespmem:$0x6000] =	vst v63  }
0x7e: {  	_ = 	snop  }
0x7f: {  	[hbm4b:s20+s2] =	stream.linear.scatter [tilespmem:s5], [sflag:$0x1], $0x80, $0x38;
	[tilespmem:$0x6000] =	vst v63  }
0x80: {  	_ = 	snop  }
0x81: {  	[hbm4b:s22+s2] =	stream.linear.scatter [tilespmem:s4], [sflag:$0x1], $0x80, $0x38;
	[tilespmem:$0x6000] =	vst v63  }
0x82: {  	_ = 	snop  }
0x83: {  	[hbm4b:s13+s2] =	stream.linear.scatter [tilespmem:s2], [sflag:$0x1], $0x80, $0x38;
	[tilespmem:$0x6000] =	vst v63  }
0x84: {  	_ = 	snop  }
0x85: {  	[hbm4b:s23+s2] =	stream.linear.scatter [tilespmem:s10], [sflag:$0x1], $0x80, $0x38;
	[tilespmem:$0x6000] =	vst v63  }
0x86: {  	_ = 	snop  }
0x87: {  	[hbm4b:s24+s2] =	stream.linear.scatter [tilespmem:s9], [sflag:$0x1], $0x80, $0x38;
	[tilespmem:$0x6000] =	vst v63  }
0x88: {  	_ = 	snop  }
0x89: {  	[hbm4b:s25+s2] =	stream.linear.scatter [tilespmem:s7], [sflag:$0x1], $0x80, $0x38;
	[tilespmem:$0x6000] =	vst v63  }
0x8a: {  	_ = 	snop  }
0x8b: {  	[hbm4b:s26+s2] =	stream.linear.scatter [tilespmem:s5], [sflag:$0x1], $0x80, $0x38;
	[tilespmem:$0x6000] =	vst v63  }
0x8c: {  	_ = 	snop  }
0x8d: {  	[hbm4b:s28+s2] =	stream.linear.scatter [tilespmem:s4], [sflag:$0x1], $0x80, $0x38;
	[tilespmem:$0x6000] =	vst v63  }
0x8e: {  	_ = 	snop  }
0x8f: {  	[hbm4b:s12+s2] =	stream.linear.scatter [tilespmem:s2], [sflag:$0x1], $0x80, $0x38;
	[tilespmem:$0x6000] =	vst v63  }
0x90: {  	_ = 	snop  }
0x91: {  	[hbm4b:s29+s2] =	stream.linear.scatter [tilespmem:s10], [sflag:$0x1], $0x80, $0x38;
	[tilespmem:$0x6000] =	vst v63  }
0x92: {  	_ = 	snop  }
0x93: {  	[hbm4b:s30+s2] =	stream.linear.scatter [tilespmem:s9], [sflag:$0x1], $0x80, $0x38;
	[tilespmem:$0x6000] =	vst v63  }
0x94: {  	_ = 	snop  }
0x95: {  	[hbm4b:s31+s2] =	stream.linear.scatter [tilespmem:s7], [sflag:$0x1], $0x80, $0x38;
	[tilespmem:$0x6000] =	vst v63  }
0x96: {  	_ = 	snop  }
0x97: {  	[hbm4b:s1+s2] =	stream.linear.scatter [tilespmem:s5], [sflag:$0x1], $0x80, $0x38;
	[tilespmem:$0x6000] =	vst v63  }
0x98: {  	_ = 	snop  }
0x99: {  	[hbm4b:s0+s2] =	stream.linear.scatter [tilespmem:s4], [sflag:$0x1], $0x80, $0x38;
	[tilespmem:$0x6000] =	vst v63  }
0x9a: {  	_ =	swait.ge [sflag:s8], $0x300  }
0x9b: {  	[sflag:s8] =	ssyncset.done $0x0  }
0x9c: {  	[sflag:s8] =	ssyncadd.s32 $0xFFFFFD00  }
0x9d: {  	_ =	swait.ge [sflag:s8], $0x300  }
0x9e: {  	[sflag:s8] =	ssyncset.done $0x0  }
0x9f: {  	p1 =	sne.s32 s3, $0x1;
	[sflag:s8] =	ssyncadd.s32 $0xFFFFFD00  }
.Ltmp2:
0xa0: {  	_ =	swait.ge [sflag:s8], $0x300;
	(pc) =	sbr.rel @p1 .LBB2_3-.Ltmp2, $4  }
0xa1: {  	[sflag:s8] =	ssyncset.done $0x0  }
0xa2: {  	[sflag:s8] =	ssyncadd.s32 $0xFFFFFD00  }
0xa3: {  	_ =	swait.ge [sflag:s8], $0x300  }
0xa4: {  	s3 =	sadd.s32 $0xFFFFFFFF, s3;
	[sflag:s8] =	ssyncset.done $0x0  }
0xa5: {  	s11 =	rddreg [dreg:$0x2]  }
0xa6: {  	s23 =	rddreg [dreg:$0xb]  }
0xa7: {  	s24 =	rddreg [dreg:$0xc]  }
0xa8: {  	s6 =	stileid.u32;
	s22 =	rddreg [dreg:$0xa]  }
.LBB2_5:
0xa9: {  	[sflag:s8] =	ssyncadd.s32 @p0 $0xFFFFFD00  }
0xaa: {  	[tilespmem:s2], [sflag:$0x2] =	stream.linear.gather [hbm4b:s24+s2], $0x80, $0x38;
	[tilespmem:$0x6000] =	vst v63  }
0xab: {  	s0 =	rddreg [dreg:$0x3]  }
0xac: {  	[tilespmem:s10], [sflag:$0x2] =	stream.linear.gather [hbm4b:s0+s2], $0x80, $0x38;
	[tilespmem:$0x6000] =	vst v63  }
0xad: {  	s1 =	rddreg [dreg:$0x4]  }
0xae: {  	[tilespmem:s9], [sflag:$0x2] =	stream.linear.gather [hbm4b:s1+s2], $0x80, $0x38;
	[tilespmem:$0x6000] =	vst v63  }
0xaf: {  	s29 =	rddreg [dreg:$0x5]  }
0xb0: {  	[tilespmem:s7], [sflag:$0x2] =	stream.linear.gather [hbm4b:s29+s2], $0x80, $0x38;
	[tilespmem:$0x6000] =	vst v63  }
0xb1: {  	s30 =	rddreg [dreg:$0x6]  }
0xb2: {  	[tilespmem:s5], [sflag:$0x2] =	stream.linear.gather [hbm4b:s30+s2], $0x80, $0x38;
	[tilespmem:$0x6000] =	vst v63  }
0xb3: {  	s31 =	rddreg [dreg:$0x7]  }
0xb4: {  	[tilespmem:s4], [sflag:$0x2] =	stream.linear.gather [hbm4b:s31+s2], $0x80, $0x38;
	[tilespmem:$0x6000] =	vst v63  }
0xb5: {  	_ =	swait.ge [sflag:s21], $0x300  }
0xb6: {  	[sflag:s21] =	ssyncset.done $0x0  }
0xb7: {  	[sflag:s21] =	ssyncadd.s32 $0xFFFFFD00  }
0xb8: {  	[hbm4b:s23+s2] =	stream.linear.scatter [tilespmem:s2], [sflag:$0x1], $0x80, $0x38;
	[tilespmem:$0x6000] =	vst v63  }
0xb9: {  	s1 =	rddreg [dreg:$0x8]  }
0xba: {  	[hbm4b:s1+s2] =	stream.linear.scatter [tilespmem:s10], [sflag:$0x1], $0x80, $0x38;
	[tilespmem:$0x6000] =	vst v63  }
0xbb: {  	s3 =	rddreg [dreg:$0x9]  }
0xbc: {  	[hbm4b:s3+s2] =	stream.linear.scatter [tilespmem:s9], [sflag:$0x1], $0x80, $0x38;
	[tilespmem:$0x6000] =	vst v63  }
0xbd: {  	_ = 	snop  }
0xbe: {  	[hbm4b:s22+s2] =	stream.linear.scatter [tilespmem:s7], [sflag:$0x1], $0x80, $0x38;
	[tilespmem:$0x6000] =	vst v63  }
0xbf: {  	_ = 	snop  }
0xc0: {  	[hbm4b:s15+s2] =	stream.linear.scatter [tilespmem:s5], [sflag:$0x1], $0x80, $0x38;
	[tilespmem:$0x6000] =	vst v63  }
0xc1: {  	_ = 	snop  }
0xc2: {  	[hbm4b:s16+s2] =	stream.linear.scatter [tilespmem:s4], [sflag:$0x1], $0x80, $0x38;
	[tilespmem:$0x6000] =	vst v63  }
0xc3: {  	_ = 	snop  }
0xc4: {  	[hbm4b:s14+s2] =	stream.linear.scatter [tilespmem:s2], [sflag:$0x1], $0x80, $0x38;
	[tilespmem:$0x6000] =	vst v63  }
0xc5: {  	_ = 	snop  }
0xc6: {  	[hbm4b:s17+s2] =	stream.linear.scatter [tilespmem:s10], [sflag:$0x1], $0x80, $0x38;
	[tilespmem:$0x6000] =	vst v63  }
0xc7: {  	_ = 	snop  }
0xc8: {  	[hbm4b:s18+s2] =	stream.linear.scatter [tilespmem:s9], [sflag:$0x1], $0x80, $0x38;
	[tilespmem:$0x6000] =	vst v63  }
0xc9: {  	_ = 	snop  }
0xca: {  	[hbm4b:s19+s2] =	stream.linear.scatter [tilespmem:s7], [sflag:$0x1], $0x80, $0x38;
	[tilespmem:$0x6000] =	vst v63  }
0xcb: {  	_ = 	snop  }
0xcc: {  	[hbm4b:s20+s2] =	stream.linear.scatter [tilespmem:s5], [sflag:$0x1], $0x80, $0x38;
	[tilespmem:$0x6000] =	vst v63  }
0xcd: {  	s20 =	sadd.s32 $0x280, s14  }
0xce: {  	[hbm4b:s20+s2] =	stream.linear.scatter [tilespmem:s4], [sflag:$0x1], $0x80, $0x38;
	[tilespmem:$0x6000] =	vst v63  }
0xcf: {  	_ = 	snop  }
0xd0: {  	[hbm4b:s13+s2] =	stream.linear.scatter [tilespmem:s2], [sflag:$0x1], $0x80, $0x38;
	[tilespmem:$0x6000] =	vst v63  }
0xd1: {  	s21 =	sadd.s32 $0x80, s13  }
0xd2: {  	[hbm4b:s21+s2] =	stream.linear.scatter [tilespmem:s10], [sflag:$0x1], $0x80, $0x38;
	[tilespmem:$0x6000] =	vst v63  }
0xd3: {  	s22 =	sadd.s32 $0x100, s13  }
0xd4: {  	[hbm4b:s22+s2] =	stream.linear.scatter [tilespmem:s9], [sflag:$0x1], $0x80, $0x38;
	[tilespmem:$0x6000] =	vst v63  }
0xd5: {  	s23 =	sadd.s32 $0x180, s13  }
0xd6: {  	[hbm4b:s23+s2] =	stream.linear.scatter [tilespmem:s7], [sflag:$0x1], $0x80, $0x38;
	[tilespmem:$0x6000] =	vst v63  }
0xd7: {  	s24 =	sadd.s32 $0x200, s13  }
0xd8: {  	[hbm4b:s24+s2] =	stream.linear.scatter [tilespmem:s5], [sflag:$0x1], $0x80, $0x38;
	[tilespmem:$0x6000] =	vst v63  }
0xd9: {  	s25 =	sadd.s32 $0x280, s13  }
0xda: {  	[hbm4b:s25+s2] =	stream.linear.scatter [tilespmem:s4], [sflag:$0x1], $0x80, $0x38;
	[tilespmem:$0x6000] =	vst v63  }
0xdb: {  	_ = 	snop  }
0xdc: {  	[hbm4b:s12+s2] =	stream.linear.scatter [tilespmem:s2], [sflag:$0x1], $0x80, $0x38;
	[tilespmem:$0x6000] =	vst v63  }
0xdd: {  	s26 =	sadd.s32 $0x80, s12  }
0xde: {  	[hbm4b:s26+s2] =	stream.linear.scatter [tilespmem:s10], [sflag:$0x1], $0x80, $0x38;
	[tilespmem:$0x6000] =	vst v63  }
0xdf: {  	s28 =	sadd.s32 $0x100, s12  }
0xe0: {  	[hbm4b:s28+s2] =	stream.linear.scatter [tilespmem:s9], [sflag:$0x1], $0x80, $0x38;
	[tilespmem:$0x6000] =	vst v63  }
0xe1: {  	s29 =	sadd.s32 $0x180, s12  }
0xe2: {  	[hbm4b:s29+s2] =	stream.linear.scatter [tilespmem:s7], [sflag:$0x1], $0x80, $0x38;
	[tilespmem:$0x6000] =	vst v63  }
0xe3: {  	s30 =	sadd.s32 $0x200, s12  }
0xe4: {  	[hbm4b:s30+s2] =	stream.linear.scatter [tilespmem:s5], [sflag:$0x1], $0x80, $0x38;
	[tilespmem:$0x6000] =	vst v63  }
0xe5: {  	s31 =	sadd.s32 $0x280, s12  }
0xe6: {  	[hbm4b:s31+s2] =	stream.linear.scatter [tilespmem:s4], [sflag:$0x1], $0x80, $0x38;
	[tilespmem:$0x6000] =	vst v63  }
0xe7: {  	_ =	swait.ge [sflag:s8], $0x300  }
0xe8: {  	[sflag:s8] =	ssyncset.done $0x0  }
0xe9: {  	[sflag:s8] =	ssyncadd.s32 $0xFFFFFD00  }
0xea: {  	_ =	swait.ge [sflag:s8], $0x300  }
0xeb: {  	[sflag:s8] =	ssyncset.done $0x0  }
0xec: {  	[sflag:s8] =	ssyncadd.s32 $0xFFFFFD00  }
0xed: {  	_ =	swait.ge [sflag:s8], $0x300  }
0xee: {  	[sflag:s8] =	ssyncset.done $0x0  }
0xef: {  	[sflag:s8] =	ssyncadd.s32 $0xFFFFFD00  }
0xf0: {  	_ =	swait.ge [sflag:s8], $0x300  }
0xf1: {  	[sflag:s8] =	ssyncset.done $0x0  }
0xf2: {  	[sflag:s8] =	ssyncadd.s32 $0xFFFFFD00  }
0xf3: {  	_ =	sfence.sel $0x180000  }
0xf4: {  	[bflag:$0x0] =	sbarrier.arrive $0xFFFF  }
0xf5: {  	p0 =	sne.s32 s6, $0x0;
	_ =	strace $0x90000047  }
0xf6: {  	s0 =	sadd.s32 @!p0 $0x100000, s11;
	[bflag:$0x2] =	sbarrier.arrive $0xFFFF  }
0xf7: {  	[sflag:s0] =	ssyncadd.tile.s32 @!p0 $0x1;
	_ =	shalt  }
.LBB2_2:
.Ltmp3:
0xf8: {  	(pc) =	sbr.rel .LBB2_5-.Ltmp3, $4  }
0xf9: {  	s11 =	rddreg [dreg:$0x2]  }
0xfa: {  	s23 =	rddreg [dreg:$0xb]  }
0xfb: {  	s24 =	rddreg [dreg:$0xc]  }
0xfc: {  	s6 =	stileid.u32;
	s22 =	rddreg [dreg:$0xa]  }
.Lfunc_end2:
_tile_overlayer_lowered:
.L_overlay_start_2:
0xfd: {  	(tag) =	ssettag $0x2  }
0xfe: {  	s0 =	rddreg [dreg:$0x0];
	s2 =	stileid.u32  }
0xff: {  	s1 =	rddreg [dreg:$0x1];
	p0 =	sne.s32 s2, $0x0  }
0x100: {  	s3 =	rddreg [dreg:$0x2];
	[bflag:$0x3] =	sbarrier.arrive $0xFFFF;
	s2 =	simm.s32 @!p0 $0x1C02  }
0x101: {  	[timem:s3], [sflag:s2] =	dma.local @!p0 [hbm:s0], s1  }
0x102: {  	s0 =	simm.s32 @!p0 $0x2  }
0x103: {  	_ =	swait.ge @!p0 [sflag:s0], s1  }
0x104: {  	s1 =	ssub.s32 @!p0 $0x0, s1;
	[sflag:s0] =	ssyncset.done @!p0 $0x0  }
0x105: {  	[sflag:s0] =	ssyncadd.s32 @!p0 s1  }
0x106: {  	[bflag:$0x3] =	sbarrier.arrive $0xFFFF  }
0x107: {  	_ =	shalt  }

</sc_bundles>
